<compile_context>
chip_gen: v7x
topology: tpu7x:2x2x1
jax: 0.10.2.dev20260603
libtpu: 0.0.44.dev20260713+nightly
codegen_flags: <defaults>
</compile_context>

<pallas_src>
import functools

import jax
import jax.numpy as jnp
from jax import lax
from jax.experimental import pallas as pl
from jax.experimental.pallas import tpu as pltpu
from jax.experimental.pallas import tpu_sc as plsc

BATCH = 1024
SEQ = 20
EMB_DIM = 128
NUM_CORES = 2
NUM_SUBCORES = 16
NUM_WORKERS = NUM_CORES * NUM_SUBCORES
TOTAL = BATCH * SEQ
PER_WORKER = TOTAL // NUM_WORKERS
CHUNK = 128
NUM_CHUNKS = PER_WORKER // CHUNK

_mesh = plsc.VectorSubcoreMesh(core_axis_name="c", subcore_axis_name="s",
                               num_cores=NUM_CORES,
                               num_subcores=NUM_SUBCORES)


@functools.partial(
    pl.kernel,
    out_type=jax.ShapeDtypeStruct((TOTAL, EMB_DIM), jnp.float32),
    mesh=_mesh,
    scratch_types=[
        pltpu.VMEM((PER_WORKER,), jnp.int32),
        pltpu.VMEM((PER_WORKER, EMB_DIM), jnp.float32),
        pltpu.VMEM_SHARED((3882, EMB_DIM), jnp.float32),
        pltpu.SemaphoreType.DMA,
        pltpu.SemaphoreType.DMA,
        pltpu.SemaphoreType.DMA,
    ],
    compiler_params=pltpu.CompilerParams(use_tc_tiling_on_sc=True),
)
def _gather_kernel(idx_hbm, table_hbm, out_hbm, idx_v, rows_v, table_sh,
                   gsem, wsem, tsem):
    sid = lax.axis_index("s")
    wid = sid * NUM_CORES + lax.axis_index("c")
    base = wid * PER_WORKER
    rstart = sid * 248

    @pl.when(sid < 15)
    def _():
        pltpu.async_copy(table_hbm.at[pl.ds(rstart, 248)],
                         table_sh.at[pl.ds(rstart, 248)], tsem)

    @pl.when(sid == 15)
    def _():
        pltpu.async_copy(table_hbm.at[pl.ds(3720, 162)],
                         table_sh.at[pl.ds(3720, 162)], tsem)
    pltpu.sync_copy(idx_hbm.at[pl.ds(base, PER_WORKER)], idx_v)
    N_HBM = 2
    gathers = [
        pltpu.async_copy(table_hbm.at[idx_v.at[pl.ds(j * CHUNK, CHUNK)]],
                         rows_v.at[pl.ds(j * CHUNK, CHUNK)], gsem)
        for j in range(N_HBM)
    ]

    @pl.when(sid < 15)
    def _():
        pltpu.make_async_copy(table_hbm.at[pl.ds(rstart, 248)],
                              table_sh.at[pl.ds(rstart, 248)], tsem).wait()

    @pl.when(sid == 15)
    def _():
        pltpu.make_async_copy(table_hbm.at[pl.ds(3720, 162)],
                              table_sh.at[pl.ds(3720, 162)], tsem).wait()
    plsc.subcore_barrier()
    gathers += [
        pltpu.async_copy(table_sh.at[idx_v.at[pl.ds(j * CHUNK, CHUNK)]],
                         rows_v.at[pl.ds(j * CHUNK, CHUNK)], gsem)
        for j in range(N_HBM, NUM_CHUNKS)
    ]
    writes = []
    for j in range(NUM_CHUNKS):
        gathers[j].wait()
        writes.append(
            pltpu.async_copy(rows_v.at[pl.ds(j * CHUNK, CHUNK)],
                             out_hbm.at[pl.ds(base + j * CHUNK, CHUNK)],
                             wsem))
    for w in writes:
        w.wait()


def kernel(inputs, embeddingDict):
    idx = inputs.T.reshape(TOTAL)
    out = _gather_kernel(idx, embeddingDict)
    return out.reshape(SEQ, BATCH, EMB_DIM).transpose(1, 0, 2)

# --- scband reference (transcript-rebuilt; emitter-appended) ---
"""Pipeline reference for scband-embedding-with-word2-vec-14903536517909 (READ-ONLY COPY).

The authoritative reference and input builder live on the scoring server;
editing this copy changes nothing except your own understanding.
"""

import jax, jax.numpy as jnp
import numpy as np

VOCAB = 3882
EMB_DIM = 128

def setup_inputs(seed: int = 0) -> dict:
    key = jax.random.key(seed)
    k1, k2 = jax.random.split(key)
    inputs = jax.random.randint(k1, (1024, 20), 0, VOCAB, dtype=jnp.int32)
    # Learned parameter: word2vec embedding table, rows with index <= 3882 kept,
    # one_hot depth is 3882 so the effective table used is [3882, EMB_DIM].
    embeddingDict = jax.random.normal(k2, (VOCAB, EMB_DIM), dtype=jnp.float32) * 0.05
    return {"inputs": inputs, "embeddingDict": embeddingDict}

def reference(inputs, embeddingDict):
    # Faithful translation of the TF layer: one-hot encode then dense matmul
    # (NOT replaced by a gather, to preserve the original math exactly).
    onehot = jax.nn.one_hot(inputs, VOCAB, dtype=embeddingDict.dtype)  # [B, L, VOCAB]
    res = jnp.matmul(onehot, embeddingDict)  # [B, L, EMB_DIM]
    return res

if __name__ == "__main__":
    import jax
    _d = setup_inputs()
    print(jax.jit(kernel)(*tuple(_d.values())))

</pallas_src>

<mosaic_0001>
#map = affine_map<(d0, d1) -> (0)>
#map1 = affine_map<(d0, d1) -> (0, 0)>
module attributes {stable_mosaic.version = 14 : i64} {
  func.func @_gather_kernel(%arg0: i32, %arg1: i32, %arg2: memref<20480xi32, #tpu.memory_space<hbm>>, %arg3: memref<3882x128xf32, #tpu.memory_space<hbm>>, %arg4: memref<20480x128xf32, #tpu.memory_space<hbm>>, %arg5: memref<640xi32, #tpu.memory_space<vmem>>, %arg6: memref<640x128xf32, #tpu.memory_space<vmem>>, %arg7: memref<3882x128xf32, #tpu.memory_space<vmem_shared>>, %arg8: memref<!tpu.dma_semaphore, #tpu.memory_space<semaphore_mem>>, %arg9: memref<!tpu.dma_semaphore, #tpu.memory_space<semaphore_mem>>, %arg10: memref<!tpu.dma_semaphore, #tpu.memory_space<semaphore_mem>>) attributes {dimension_semantics = [#tpu.dimension_semantics<core_parallel>, #tpu.dimension_semantics<subcore_parallel>], iteration_bounds = array<i64: 2, 16>, scalar_prefetch = 0 : i64, scratch_operands = 6 : i64, tpu.core_type = #tpu.core_type<sc_vector_subcore>, window_params = [{transform_indices = #map}, {transform_indices = #map1}, {transform_indices = #map1}]} {
    %mul3A = arith.constant 2 : i32
    %mul3A_0 = arith.muli %arg1, %mul3A : i32
    %add3A = arith.addi %mul3A_0, %arg0 : i32
    %mul3A_1 = arith.constant 640 : i32
    %mul3A_2 = arith.muli %add3A, %mul3A_1 : i32
    %mul3A_3 = arith.constant 248 : i32
    %mul3A_4 = arith.muli %arg1, %mul3A_3 : i32
    %lt3A = arith.constant 15 : i32
    %lt3A_5 = arith.cmpi slt, %arg1, %lt3A : i32
    %convert_element_type3A = arith.extui %lt3A_5 : i1 to i32
    %cond3A = arith.constant 0 : i32
    %cond3A_6 = arith.cmpi ne, %convert_element_type3A, %cond3A : i32
    scf.if %cond3A_6 {
      %dma_start3A_209 = arith.constant 0 : i32
      %dma_start3A_210 = tpu.memref_slice %arg7[%mul3A_4, %dma_start3A_209] : memref<3882x128xf32, #tpu.memory_space<vmem_shared>> -> memref<248x128xf32, #tpu.memory_space<vmem_shared>>
      %dma_start3A_211 = arith.constant 0 : i32
      %dma_start3A_212 = tpu.memref_slice %arg3[%mul3A_4, %dma_start3A_211] : memref<3882x128xf32, #tpu.memory_space<hbm>> -> memref<248x128xf32, #tpu.memory_space<hbm>>
      tpu.enqueue_dma source(%dma_start3A_212 : memref<248x128xf32, #tpu.memory_space<hbm>>) target(%dma_start3A_210 : memref<248x128xf32, #tpu.memory_space<vmem_shared>>) target_semaphore(%arg10 : memref<!tpu.dma_semaphore, #tpu.memory_space<semaphore_mem>>)
    } else {
    }
    %eq3A = arith.constant 15 : i32
    %eq3A_7 = arith.cmpi eq, %arg1, %eq3A : i32
    %convert_element_type3A_8 = arith.extui %eq3A_7 : i1 to i32
    %cond3A_9 = arith.constant 0 : i32
    %cond3A_10 = arith.cmpi ne, %convert_element_type3A_8, %cond3A_9 : i32
    scf.if %cond3A_10 {
      %dma_start3A_209 = arith.constant 3720 : i32
      %dma_start3A_210 = arith.constant 0 : i32
      %dma_start3A_211 = tpu.memref_slice %arg7[%dma_start3A_209, %dma_start3A_210] : memref<3882x128xf32, #tpu.memory_space<vmem_shared>> -> memref<162x128xf32, #tpu.memory_space<vmem_shared>>
      %dma_start3A_212 = arith.constant 3720 : i32
      %dma_start3A_213 = arith.constant 0 : i32
      %dma_start3A_214 = tpu.memref_slice %arg3[%dma_start3A_212, %dma_start3A_213] : memref<3882x128xf32, #tpu.memory_space<hbm>> -> memref<162x128xf32, #tpu.memory_space<hbm>>
      tpu.enqueue_dma source(%dma_start3A_214 : memref<162x128xf32, #tpu.memory_space<hbm>>) target(%dma_start3A_211 : memref<162x128xf32, #tpu.memory_space<vmem_shared>>) target_semaphore(%arg10 : memref<!tpu.dma_semaphore, #tpu.memory_space<semaphore_mem>>)
    } else {
    }
    "tpu.region"() ({
      %run_scoped3A = tpu.sem_alloc : memref<!tpu.dma_semaphore, #tpu.memory_space<semaphore_mem>>
      %dma_start3A_209 = tpu.memref_slice %arg2[%mul3A_2] : memref<20480xi32, #tpu.memory_space<hbm>> -> memref<640xi32, #tpu.memory_space<hbm>>
      %dma_start3A_210 = tpu.memref_slice %arg2[%mul3A_2] : memref<20480xi32, #tpu.memory_space<hbm>> -> memref<640xi32, #tpu.memory_space<hbm>>
      tpu.enqueue_dma source(%dma_start3A_210 : memref<640xi32, #tpu.memory_space<hbm>>) target(%arg5 : memref<640xi32, #tpu.memory_space<vmem>>) target_semaphore(%run_scoped3A : memref<!tpu.dma_semaphore, #tpu.memory_space<semaphore_mem>>)
      %dma_wait3A_211 = tpu.memref_slice %arg2[%mul3A_2] : memref<20480xi32, #tpu.memory_space<hbm>> -> memref<640xi32, #tpu.memory_space<hbm>>
      %dma_wait3A_212 = tpu.memref_slice %arg2[%mul3A_2] : memref<20480xi32, #tpu.memory_space<hbm>> -> memref<640xi32, #tpu.memory_space<hbm>>
      tpu.wait_dma2 semaphore(%run_scoped3A : memref<!tpu.dma_semaphore, #tpu.memory_space<semaphore_mem>>) src(%dma_wait3A_212 : memref<640xi32, #tpu.memory_space<hbm>>) dst(%arg5 : memref<640xi32, #tpu.memory_space<vmem>>)
      tpu.yield
    }) : () -> ()
    %dma_start3A = arith.constant 0 : i32
    %dma_start3A_11 = arith.constant 0 : i32
    %dma_start3A_12 = tpu.memref_slice %arg6[%dma_start3A, %dma_start3A_11] : memref<640x128xf32, #tpu.memory_space<vmem>> -> memref<128x128xf32, #tpu.memory_space<vmem>>
    %dma_start3A_13 = arith.constant 0 : i32
    %dma_start3A_14 = tpu.memref_slice %arg5[%dma_start3A_13] : memref<640xi32, #tpu.memory_space<vmem>> -> memref<128xi32, #tpu.memory_space<vmem>>
    %dma_start3A_15 = arith.constant 0 : i32
    %dma_start3A_16 = arith.constant 0 : i32
    %dma_start3A_17 = tpu.memref_slice %arg3[%dma_start3A_15, %dma_start3A_16] : memref<3882x128xf32, #tpu.memory_space<hbm>> -> memref<3882x128xf32, #tpu.memory_space<hbm>>
    tpu.enqueue_indirect_dma source(%dma_start3A_17 : memref<3882x128xf32, #tpu.memory_space<hbm>>) target(%dma_start3A_12 : memref<128x128xf32, #tpu.memory_space<vmem>>) offsets(%dma_start3A_14 : memref<128xi32, #tpu.memory_space<vmem>>) semaphore(%arg8 : memref<!tpu.dma_semaphore, #tpu.memory_space<semaphore_mem>>)
    %dma_start3A_18 = arith.constant 128 : i32
    %dma_start3A_19 = arith.constant 0 : i32
    %dma_start3A_20 = tpu.memref_slice %arg6[%dma_start3A_18, %dma_start3A_19] : memref<640x128xf32, #tpu.memory_space<vmem>> -> memref<128x128xf32, #tpu.memory_space<vmem>>
    %dma_start3A_21 = arith.constant 128 : i32
    %dma_start3A_22 = tpu.memref_slice %arg5[%dma_start3A_21] : memref<640xi32, #tpu.memory_space<vmem>> -> memref<128xi32, #tpu.memory_space<vmem>>
    %dma_start3A_23 = arith.constant 0 : i32
    %dma_start3A_24 = arith.constant 0 : i32
    %dma_start3A_25 = tpu.memref_slice %arg3[%dma_start3A_23, %dma_start3A_24] : memref<3882x128xf32, #tpu.memory_space<hbm>> -> memref<3882x128xf32, #tpu.memory_space<hbm>>
    tpu.enqueue_indirect_dma source(%dma_start3A_25 : memref<3882x128xf32, #tpu.memory_space<hbm>>) target(%dma_start3A_20 : memref<128x128xf32, #tpu.memory_space<vmem>>) offsets(%dma_start3A_22 : memref<128xi32, #tpu.memory_space<vmem>>) semaphore(%arg8 : memref<!tpu.dma_semaphore, #tpu.memory_space<semaphore_mem>>)
    %lt3A_26 = arith.constant 15 : i32
    %lt3A_27 = arith.cmpi slt, %arg1, %lt3A_26 : i32
    %convert_element_type3A_28 = arith.extui %lt3A_27 : i1 to i32
    %cond3A_29 = arith.constant 0 : i32
    %cond3A_30 = arith.cmpi ne, %convert_element_type3A_28, %cond3A_29 : i32
    scf.if %cond3A_30 {
      %dma_wait3A_209 = arith.constant 0 : i32
      %dma_wait3A_210 = tpu.memref_slice %arg7[%mul3A_4, %dma_wait3A_209] : memref<3882x128xf32, #tpu.memory_space<vmem_shared>> -> memref<248x128xf32, #tpu.memory_space<vmem_shared>>
      %dma_wait3A_211 = arith.constant 0 : i32
      %dma_wait3A_212 = tpu.memref_slice %arg3[%mul3A_4, %dma_wait3A_211] : memref<3882x128xf32, #tpu.memory_space<hbm>> -> memref<248x128xf32, #tpu.memory_space<hbm>>
      tpu.wait_dma2 semaphore(%arg10 : memref<!tpu.dma_semaphore, #tpu.memory_space<semaphore_mem>>) src(%dma_wait3A_212 : memref<248x128xf32, #tpu.memory_space<hbm>>) dst(%dma_wait3A_210 : memref<248x128xf32, #tpu.memory_space<vmem_shared>>)
    } else {
    }
    %eq3A_31 = arith.constant 15 : i32
    %eq3A_32 = arith.cmpi eq, %arg1, %eq3A_31 : i32
    %convert_element_type3A_33 = arith.extui %eq3A_32 : i1 to i32
    %cond3A_34 = arith.constant 0 : i32
    %cond3A_35 = arith.cmpi ne, %convert_element_type3A_33, %cond3A_34 : i32
    scf.if %cond3A_35 {
      %dma_wait3A_209 = arith.constant 3720 : i32
      %dma_wait3A_210 = arith.constant 0 : i32
      %dma_wait3A_211 = tpu.memref_slice %arg7[%dma_wait3A_209, %dma_wait3A_210] : memref<3882x128xf32, #tpu.memory_space<vmem_shared>> -> memref<162x128xf32, #tpu.memory_space<vmem_shared>>
      %dma_wait3A_212 = arith.constant 3720 : i32
      %dma_wait3A_213 = arith.constant 0 : i32
      %dma_wait3A_214 = tpu.memref_slice %arg3[%dma_wait3A_212, %dma_wait3A_213] : memref<3882x128xf32, #tpu.memory_space<hbm>> -> memref<162x128xf32, #tpu.memory_space<hbm>>
      tpu.wait_dma2 semaphore(%arg10 : memref<!tpu.dma_semaphore, #tpu.memory_space<semaphore_mem>>) src(%dma_wait3A_214 : memref<162x128xf32, #tpu.memory_space<hbm>>) dst(%dma_wait3A_211 : memref<162x128xf32, #tpu.memory_space<vmem_shared>>)
    } else {
    }
    %barrier3A = arith.constant 0 : index
    tpu.barrier barrier_id(%barrier3A)
    %dma_start3A_36 = arith.constant 256 : i32
    %dma_start3A_37 = arith.constant 0 : i32
    %dma_start3A_38 = tpu.memref_slice %arg6[%dma_start3A_36, %dma_start3A_37] : memref<640x128xf32, #tpu.memory_space<vmem>> -> memref<128x128xf32, #tpu.memory_space<vmem>>
    %dma_start3A_39 = arith.constant 256 : i32
    %dma_start3A_40 = tpu.memref_slice %arg5[%dma_start3A_39] : memref<640xi32, #tpu.memory_space<vmem>> -> memref<128xi32, #tpu.memory_space<vmem>>
    %dma_start3A_41 = arith.constant 0 : i32
    %dma_start3A_42 = arith.constant 0 : i32
    %dma_start3A_43 = tpu.memref_slice %arg7[%dma_start3A_41, %dma_start3A_42] : memref<3882x128xf32, #tpu.memory_space<vmem_shared>> -> memref<3882x128xf32, #tpu.memory_space<vmem_shared>>
    tpu.enqueue_indirect_dma source(%dma_start3A_43 : memref<3882x128xf32, #tpu.memory_space<vmem_shared>>) target(%dma_start3A_38 : memref<128x128xf32, #tpu.memory_space<vmem>>) offsets(%dma_start3A_40 : memref<128xi32, #tpu.memory_space<vmem>>) semaphore(%arg8 : memref<!tpu.dma_semaphore, #tpu.memory_space<semaphore_mem>>)
    %dma_start3A_44 = arith.constant 384 : i32
    %dma_start3A_45 = arith.constant 0 : i32
    %dma_start3A_46 = tpu.memref_slice %arg6[%dma_start3A_44, %dma_start3A_45] : memref<640x128xf32, #tpu.memory_space<vmem>> -> memref<128x128xf32, #tpu.memory_space<vmem>>
    %dma_start3A_47 = arith.constant 384 : i32
    %dma_start3A_48 = tpu.memref_slice %arg5[%dma_start3A_47] : memref<640xi32, #tpu.memory_space<vmem>> -> memref<128xi32, #tpu.memory_space<vmem>>
    %dma_start3A_49 = arith.constant 0 : i32
    %dma_start3A_50 = arith.constant 0 : i32
    %dma_start3A_51 = tpu.memref_slice %arg7[%dma_start3A_49, %dma_start3A_50] : memref<3882x128xf32, #tpu.memory_space<vmem_shared>> -> memref<3882x128xf32, #tpu.memory_space<vmem_shared>>
    tpu.enqueue_indirect_dma source(%dma_start3A_51 : memref<3882x128xf32, #tpu.memory_space<vmem_shared>>) target(%dma_start3A_46 : memref<128x128xf32, #tpu.memory_space<vmem>>) offsets(%dma_start3A_48 : memref<128xi32, #tpu.memory_space<vmem>>) semaphore(%arg8 : memref<!tpu.dma_semaphore, #tpu.memory_space<semaphore_mem>>)
    %dma_start3A_52 = arith.constant 512 : i32
    %dma_start3A_53 = arith.constant 0 : i32
    %dma_start3A_54 = tpu.memref_slice %arg6[%dma_start3A_52, %dma_start3A_53] : memref<640x128xf32, #tpu.memory_space<vmem>> -> memref<128x128xf32, #tpu.memory_space<vmem>>
    %dma_start3A_55 = arith.constant 512 : i32
    %dma_start3A_56 = tpu.memref_slice %arg5[%dma_start3A_55] : memref<640xi32, #tpu.memory_space<vmem>> -> memref<128xi32, #tpu.memory_space<vmem>>
    %dma_start3A_57 = arith.constant 0 : i32
    %dma_start3A_58 = arith.constant 0 : i32
    %dma_start3A_59 = tpu.memref_slice %arg7[%dma_start3A_57, %dma_start3A_58] : memref<3882x128xf32, #tpu.memory_space<vmem_shared>> -> memref<3882x128xf32, #tpu.memory_space<vmem_shared>>
    tpu.enqueue_indirect_dma source(%dma_start3A_59 : memref<3882x128xf32, #tpu.memory_space<vmem_shared>>) target(%dma_start3A_54 : memref<128x128xf32, #tpu.memory_space<vmem>>) offsets(%dma_start3A_56 : memref<128xi32, #tpu.memory_space<vmem>>) semaphore(%arg8 : memref<!tpu.dma_semaphore, #tpu.memory_space<semaphore_mem>>)
    %dma_wait3A = arith.constant 0 : i32
    %dma_wait3A_60 = arith.constant 0 : i32
    %dma_wait3A_61 = tpu.memref_slice %arg6[%dma_wait3A, %dma_wait3A_60] : memref<640x128xf32, #tpu.memory_space<vmem>> -> memref<128x128xf32, #tpu.memory_space<vmem>>
    %dma_wait3A_62 = arith.constant 0 : i32
    %dma_wait3A_63 = tpu.memref_slice %arg5[%dma_wait3A_62] : memref<640xi32, #tpu.memory_space<vmem>> -> memref<128xi32, #tpu.memory_space<vmem>>
    %dma_wait3A_64 = arith.constant 0 : i32
    %dma_wait3A_65 = arith.constant 0 : i32
    %dma_wait3A_66 = tpu.memref_slice %arg3[%dma_wait3A_64, %dma_wait3A_65] : memref<3882x128xf32, #tpu.memory_space<hbm>> -> memref<3882x128xf32, #tpu.memory_space<hbm>>
    tpu.wait_indirect_dma semaphore(%arg8 : memref<!tpu.dma_semaphore, #tpu.memory_space<semaphore_mem>>) src(%dma_wait3A_66 : memref<3882x128xf32, #tpu.memory_space<hbm>>) dst(%dma_wait3A_61 : memref<128x128xf32, #tpu.memory_space<vmem>>)
    %add3A_67 = arith.constant 0 : i32
    %add3A_68 = arith.addi %mul3A_2, %add3A_67 : i32
    %dma_start3A_69 = arith.constant 0 : i32
    %dma_start3A_70 = arith.constant 0 : i32
    %dma_start3A_71 = tpu.memref_slice %arg6[%dma_start3A_69, %dma_start3A_70] : memref<640x128xf32, #tpu.memory_space<vmem>> -> memref<128x128xf32, #tpu.memory_space<vmem>>
    %dma_start3A_72 = arith.constant 0 : i32
    %dma_start3A_73 = tpu.memref_slice %arg4[%add3A_68, %dma_start3A_72] : memref<20480x128xf32, #tpu.memory_space<hbm>> -> memref<128x128xf32, #tpu.memory_space<hbm>>
    %dma_start3A_74 = arith.constant 0 : i32
    %dma_start3A_75 = tpu.memref_slice %arg4[%add3A_68, %dma_start3A_74] : memref<20480x128xf32, #tpu.memory_space<hbm>> -> memref<128x128xf32, #tpu.memory_space<hbm>>
    %dma_start3A_76 = arith.constant 0 : i32
    %dma_start3A_77 = arith.constant 0 : i32
    %dma_start3A_78 = tpu.memref_slice %arg6[%dma_start3A_76, %dma_start3A_77] : memref<640x128xf32, #tpu.memory_space<vmem>> -> memref<128x128xf32, #tpu.memory_space<vmem>>
    tpu.enqueue_dma source(%dma_start3A_78 : memref<128x128xf32, #tpu.memory_space<vmem>>) target(%dma_start3A_75 : memref<128x128xf32, #tpu.memory_space<hbm>>) target_semaphore(%arg9 : memref<!tpu.dma_semaphore, #tpu.memory_space<semaphore_mem>>)
    %dma_wait3A_79 = arith.constant 128 : i32
    %dma_wait3A_80 = arith.constant 0 : i32
    %dma_wait3A_81 = tpu.memref_slice %arg6[%dma_wait3A_79, %dma_wait3A_80] : memref<640x128xf32, #tpu.memory_space<vmem>> -> memref<128x128xf32, #tpu.memory_space<vmem>>
    %dma_wait3A_82 = arith.constant 128 : i32
    %dma_wait3A_83 = tpu.memref_slice %arg5[%dma_wait3A_82] : memref<640xi32, #tpu.memory_space<vmem>> -> memref<128xi32, #tpu.memory_space<vmem>>
    %dma_wait3A_84 = arith.constant 0 : i32
    %dma_wait3A_85 = arith.constant 0 : i32
    %dma_wait3A_86 = tpu.memref_slice %arg3[%dma_wait3A_84, %dma_wait3A_85] : memref<3882x128xf32, #tpu.memory_space<hbm>> -> memref<3882x128xf32, #tpu.memory_space<hbm>>
    tpu.wait_indirect_dma semaphore(%arg8 : memref<!tpu.dma_semaphore, #tpu.memory_space<semaphore_mem>>) src(%dma_wait3A_86 : memref<3882x128xf32, #tpu.memory_space<hbm>>) dst(%dma_wait3A_81 : memref<128x128xf32, #tpu.memory_space<vmem>>)
    %add3A_87 = arith.constant 128 : i32
    %add3A_88 = arith.addi %mul3A_2, %add3A_87 : i32
    %dma_start3A_89 = arith.constant 128 : i32
    %dma_start3A_90 = arith.constant 0 : i32
    %dma_start3A_91 = tpu.memref_slice %arg6[%dma_start3A_89, %dma_start3A_90] : memref<640x128xf32, #tpu.memory_space<vmem>> -> memref<128x128xf32, #tpu.memory_space<vmem>>
    %dma_start3A_92 = arith.constant 0 : i32
    %dma_start3A_93 = tpu.memref_slice %arg4[%add3A_88, %dma_start3A_92] : memref<20480x128xf32, #tpu.memory_space<hbm>> -> memref<128x128xf32, #tpu.memory_space<hbm>>
    %dma_start3A_94 = arith.constant 0 : i32
    %dma_start3A_95 = tpu.memref_slice %arg4[%add3A_88, %dma_start3A_94] : memref<20480x128xf32, #tpu.memory_space<hbm>> -> memref<128x128xf32, #tpu.memory_space<hbm>>
    %dma_start3A_96 = arith.constant 128 : i32
    %dma_start3A_97 = arith.constant 0 : i32
    %dma_start3A_98 = tpu.memref_slice %arg6[%dma_start3A_96, %dma_start3A_97] : memref<640x128xf32, #tpu.memory_space<vmem>> -> memref<128x128xf32, #tpu.memory_space<vmem>>
    tpu.enqueue_dma source(%dma_start3A_98 : memref<128x128xf32, #tpu.memory_space<vmem>>) target(%dma_start3A_95 : memref<128x128xf32, #tpu.memory_space<hbm>>) target_semaphore(%arg9 : memref<!tpu.dma_semaphore, #tpu.memory_space<semaphore_mem>>)
    %dma_wait3A_99 = arith.constant 256 : i32
    %dma_wait3A_100 = arith.constant 0 : i32
    %dma_wait3A_101 = tpu.memref_slice %arg6[%dma_wait3A_99, %dma_wait3A_100] : memref<640x128xf32, #tpu.memory_space<vmem>> -> memref<128x128xf32, #tpu.memory_space<vmem>>
    %dma_wait3A_102 = arith.constant 256 : i32
    %dma_wait3A_103 = tpu.memref_slice %arg5[%dma_wait3A_102] : memref<640xi32, #tpu.memory_space<vmem>> -> memref<128xi32, #tpu.memory_space<vmem>>
    %dma_wait3A_104 = arith.constant 0 : i32
    %dma_wait3A_105 = arith.constant 0 : i32
    %dma_wait3A_106 = tpu.memref_slice %arg7[%dma_wait3A_104, %dma_wait3A_105] : memref<3882x128xf32, #tpu.memory_space<vmem_shared>> -> memref<3882x128xf32, #tpu.memory_space<vmem_shared>>
    tpu.wait_indirect_dma semaphore(%arg8 : memref<!tpu.dma_semaphore, #tpu.memory_space<semaphore_mem>>) src(%dma_wait3A_106 : memref<3882x128xf32, #tpu.memory_space<vmem_shared>>) dst(%dma_wait3A_101 : memref<128x128xf32, #tpu.memory_space<vmem>>)
    %add3A_107 = arith.constant 256 : i32
    %add3A_108 = arith.addi %mul3A_2, %add3A_107 : i32
    %dma_start3A_109 = arith.constant 256 : i32
    %dma_start3A_110 = arith.constant 0 : i32
    %dma_start3A_111 = tpu.memref_slice %arg6[%dma_start3A_109, %dma_start3A_110] : memref<640x128xf32, #tpu.memory_space<vmem>> -> memref<128x128xf32, #tpu.memory_space<vmem>>
    %dma_start3A_112 = arith.constant 0 : i32
    %dma_start3A_113 = tpu.memref_slice %arg4[%add3A_108, %dma_start3A_112] : memref<20480x128xf32, #tpu.memory_space<hbm>> -> memref<128x128xf32, #tpu.memory_space<hbm>>
    %dma_start3A_114 = arith.constant 0 : i32
    %dma_start3A_115 = tpu.memref_slice %arg4[%add3A_108, %dma_start3A_114] : memref<20480x128xf32, #tpu.memory_space<hbm>> -> memref<128x128xf32, #tpu.memory_space<hbm>>
    %dma_start3A_116 = arith.constant 256 : i32
    %dma_start3A_117 = arith.constant 0 : i32
    %dma_start3A_118 = tpu.memref_slice %arg6[%dma_start3A_116, %dma_start3A_117] : memref<640x128xf32, #tpu.memory_space<vmem>> -> memref<128x128xf32, #tpu.memory_space<vmem>>
    tpu.enqueue_dma source(%dma_start3A_118 : memref<128x128xf32, #tpu.memory_space<vmem>>) target(%dma_start3A_115 : memref<128x128xf32, #tpu.memory_space<hbm>>) target_semaphore(%arg9 : memref<!tpu.dma_semaphore, #tpu.memory_space<semaphore_mem>>)
    %dma_wait3A_119 = arith.constant 384 : i32
    %dma_wait3A_120 = arith.constant 0 : i32
    %dma_wait3A_121 = tpu.memref_slice %arg6[%dma_wait3A_119, %dma_wait3A_120] : memref<640x128xf32, #tpu.memory_space<vmem>> -> memref<128x128xf32, #tpu.memory_space<vmem>>
    %dma_wait3A_122 = arith.constant 384 : i32
    %dma_wait3A_123 = tpu.memref_slice %arg5[%dma_wait3A_122] : memref<640xi32, #tpu.memory_space<vmem>> -> memref<128xi32, #tpu.memory_space<vmem>>
    %dma_wait3A_124 = arith.constant 0 : i32
    %dma_wait3A_125 = arith.constant 0 : i32
    %dma_wait3A_126 = tpu.memref_slice %arg7[%dma_wait3A_124, %dma_wait3A_125] : memref<3882x128xf32, #tpu.memory_space<vmem_shared>> -> memref<3882x128xf32, #tpu.memory_space<vmem_shared>>
    tpu.wait_indirect_dma semaphore(%arg8 : memref<!tpu.dma_semaphore, #tpu.memory_space<semaphore_mem>>) src(%dma_wait3A_126 : memref<3882x128xf32, #tpu.memory_space<vmem_shared>>) dst(%dma_wait3A_121 : memref<128x128xf32, #tpu.memory_space<vmem>>)
    %add3A_127 = arith.constant 384 : i32
    %add3A_128 = arith.addi %mul3A_2, %add3A_127 : i32
    %dma_start3A_129 = arith.constant 384 : i32
    %dma_start3A_130 = arith.constant 0 : i32
    %dma_start3A_131 = tpu.memref_slice %arg6[%dma_start3A_129, %dma_start3A_130] : memref<640x128xf32, #tpu.memory_space<vmem>> -> memref<128x128xf32, #tpu.memory_space<vmem>>
    %dma_start3A_132 = arith.constant 0 : i32
    %dma_start3A_133 = tpu.memref_slice %arg4[%add3A_128, %dma_start3A_132] : memref<20480x128xf32, #tpu.memory_space<hbm>> -> memref<128x128xf32, #tpu.memory_space<hbm>>
    %dma_start3A_134 = arith.constant 0 : i32
    %dma_start3A_135 = tpu.memref_slice %arg4[%add3A_128, %dma_start3A_134] : memref<20480x128xf32, #tpu.memory_space<hbm>> -> memref<128x128xf32, #tpu.memory_space<hbm>>
    %dma_start3A_136 = arith.constant 384 : i32
    %dma_start3A_137 = arith.constant 0 : i32
    %dma_start3A_138 = tpu.memref_slice %arg6[%dma_start3A_136, %dma_start3A_137] : memref<640x128xf32, #tpu.memory_space<vmem>> -> memref<128x128xf32, #tpu.memory_space<vmem>>
    tpu.enqueue_dma source(%dma_start3A_138 : memref<128x128xf32, #tpu.memory_space<vmem>>) target(%dma_start3A_135 : memref<128x128xf32, #tpu.memory_space<hbm>>) target_semaphore(%arg9 : memref<!tpu.dma_semaphore, #tpu.memory_space<semaphore_mem>>)
    %dma_wait3A_139 = arith.constant 512 : i32
    %dma_wait3A_140 = arith.constant 0 : i32
    %dma_wait3A_141 = tpu.memref_slice %arg6[%dma_wait3A_139, %dma_wait3A_140] : memref<640x128xf32, #tpu.memory_space<vmem>> -> memref<128x128xf32, #tpu.memory_space<vmem>>
    %dma_wait3A_142 = arith.constant 512 : i32
    %dma_wait3A_143 = tpu.memref_slice %arg5[%dma_wait3A_142] : memref<640xi32, #tpu.memory_space<vmem>> -> memref<128xi32, #tpu.memory_space<vmem>>
    %dma_wait3A_144 = arith.constant 0 : i32
    %dma_wait3A_145 = arith.constant 0 : i32
    %dma_wait3A_146 = tpu.memref_slice %arg7[%dma_wait3A_144, %dma_wait3A_145] : memref<3882x128xf32, #tpu.memory_space<vmem_shared>> -> memref<3882x128xf32, #tpu.memory_space<vmem_shared>>
    tpu.wait_indirect_dma semaphore(%arg8 : memref<!tpu.dma_semaphore, #tpu.memory_space<semaphore_mem>>) src(%dma_wait3A_146 : memref<3882x128xf32, #tpu.memory_space<vmem_shared>>) dst(%dma_wait3A_141 : memref<128x128xf32, #tpu.memory_space<vmem>>)
    %add3A_147 = arith.constant 512 : i32
    %add3A_148 = arith.addi %mul3A_2, %add3A_147 : i32
    %dma_start3A_149 = arith.constant 512 : i32
    %dma_start3A_150 = arith.constant 0 : i32
    %dma_start3A_151 = tpu.memref_slice %arg6[%dma_start3A_149, %dma_start3A_150] : memref<640x128xf32, #tpu.memory_space<vmem>> -> memref<128x128xf32, #tpu.memory_space<vmem>>
    %dma_start3A_152 = arith.constant 0 : i32
    %dma_start3A_153 = tpu.memref_slice %arg4[%add3A_148, %dma_start3A_152] : memref<20480x128xf32, #tpu.memory_space<hbm>> -> memref<128x128xf32, #tpu.memory_space<hbm>>
    %dma_start3A_154 = arith.constant 0 : i32
    %dma_start3A_155 = tpu.memref_slice %arg4[%add3A_148, %dma_start3A_154] : memref<20480x128xf32, #tpu.memory_space<hbm>> -> memref<128x128xf32, #tpu.memory_space<hbm>>
    %dma_start3A_156 = arith.constant 512 : i32
    %dma_start3A_157 = arith.constant 0 : i32
    %dma_start3A_158 = tpu.memref_slice %arg6[%dma_start3A_156, %dma_start3A_157] : memref<640x128xf32, #tpu.memory_space<vmem>> -> memref<128x128xf32, #tpu.memory_space<vmem>>
    tpu.enqueue_dma source(%dma_start3A_158 : memref<128x128xf32, #tpu.memory_space<vmem>>) target(%dma_start3A_155 : memref<128x128xf32, #tpu.memory_space<hbm>>) target_semaphore(%arg9 : memref<!tpu.dma_semaphore, #tpu.memory_space<semaphore_mem>>)
    %dma_wait3A_159 = arith.constant 0 : i32
    %dma_wait3A_160 = arith.constant 0 : i32
    %dma_wait3A_161 = tpu.memref_slice %arg6[%dma_wait3A_159, %dma_wait3A_160] : memref<640x128xf32, #tpu.memory_space<vmem>> -> memref<128x128xf32, #tpu.memory_space<vmem>>
    %dma_wait3A_162 = arith.constant 0 : i32
    %dma_wait3A_163 = tpu.memref_slice %arg4[%add3A_68, %dma_wait3A_162] : memref<20480x128xf32, #tpu.memory_space<hbm>> -> memref<128x128xf32, #tpu.memory_space<hbm>>
    %dma_wait3A_164 = arith.constant 0 : i32
    %dma_wait3A_165 = tpu.memref_slice %arg4[%add3A_68, %dma_wait3A_164] : memref<20480x128xf32, #tpu.memory_space<hbm>> -> memref<128x128xf32, #tpu.memory_space<hbm>>
    %dma_wait3A_166 = arith.constant 0 : i32
    %dma_wait3A_167 = arith.constant 0 : i32
    %dma_wait3A_168 = tpu.memref_slice %arg6[%dma_wait3A_166, %dma_wait3A_167] : memref<640x128xf32, #tpu.memory_space<vmem>> -> memref<128x128xf32, #tpu.memory_space<vmem>>
    tpu.wait_dma2 semaphore(%arg9 : memref<!tpu.dma_semaphore, #tpu.memory_space<semaphore_mem>>) src(%dma_wait3A_168 : memref<128x128xf32, #tpu.memory_space<vmem>>) dst(%dma_wait3A_165 : memref<128x128xf32, #tpu.memory_space<hbm>>)
    %dma_wait3A_169 = arith.constant 128 : i32
    %dma_wait3A_170 = arith.constant 0 : i32
    %dma_wait3A_171 = tpu.memref_slice %arg6[%dma_wait3A_169, %dma_wait3A_170] : memref<640x128xf32, #tpu.memory_space<vmem>> -> memref<128x128xf32, #tpu.memory_space<vmem>>
    %dma_wait3A_172 = arith.constant 0 : i32
    %dma_wait3A_173 = tpu.memref_slice %arg4[%add3A_88, %dma_wait3A_172] : memref<20480x128xf32, #tpu.memory_space<hbm>> -> memref<128x128xf32, #tpu.memory_space<hbm>>
    %dma_wait3A_174 = arith.constant 0 : i32
    %dma_wait3A_175 = tpu.memref_slice %arg4[%add3A_88, %dma_wait3A_174] : memref<20480x128xf32, #tpu.memory_space<hbm>> -> memref<128x128xf32, #tpu.memory_space<hbm>>
    %dma_wait3A_176 = arith.constant 128 : i32
    %dma_wait3A_177 = arith.constant 0 : i32
    %dma_wait3A_178 = tpu.memref_slice %arg6[%dma_wait3A_176, %dma_wait3A_177] : memref<640x128xf32, #tpu.memory_space<vmem>> -> memref<128x128xf32, #tpu.memory_space<vmem>>
    tpu.wait_dma2 semaphore(%arg9 : memref<!tpu.dma_semaphore, #tpu.memory_space<semaphore_mem>>) src(%dma_wait3A_178 : memref<128x128xf32, #tpu.memory_space<vmem>>) dst(%dma_wait3A_175 : memref<128x128xf32, #tpu.memory_space<hbm>>)
    %dma_wait3A_179 = arith.constant 256 : i32
    %dma_wait3A_180 = arith.constant 0 : i32
    %dma_wait3A_181 = tpu.memref_slice %arg6[%dma_wait3A_179, %dma_wait3A_180] : memref<640x128xf32, #tpu.memory_space<vmem>> -> memref<128x128xf32, #tpu.memory_space<vmem>>
    %dma_wait3A_182 = arith.constant 0 : i32
    %dma_wait3A_183 = tpu.memref_slice %arg4[%add3A_108, %dma_wait3A_182] : memref<20480x128xf32, #tpu.memory_space<hbm>> -> memref<128x128xf32, #tpu.memory_space<hbm>>
    %dma_wait3A_184 = arith.constant 0 : i32
    %dma_wait3A_185 = tpu.memref_slice %arg4[%add3A_108, %dma_wait3A_184] : memref<20480x128xf32, #tpu.memory_space<hbm>> -> memref<128x128xf32, #tpu.memory_space<hbm>>
    %dma_wait3A_186 = arith.constant 256 : i32
    %dma_wait3A_187 = arith.constant 0 : i32
    %dma_wait3A_188 = tpu.memref_slice %arg6[%dma_wait3A_186, %dma_wait3A_187] : memref<640x128xf32, #tpu.memory_space<vmem>> -> memref<128x128xf32, #tpu.memory_space<vmem>>
    tpu.wait_dma2 semaphore(%arg9 : memref<!tpu.dma_semaphore, #tpu.memory_space<semaphore_mem>>) src(%dma_wait3A_188 : memref<128x128xf32, #tpu.memory_space<vmem>>) dst(%dma_wait3A_185 : memref<128x128xf32, #tpu.memory_space<hbm>>)
    %dma_wait3A_189 = arith.constant 384 : i32
    %dma_wait3A_190 = arith.constant 0 : i32
    %dma_wait3A_191 = tpu.memref_slice %arg6[%dma_wait3A_189, %dma_wait3A_190] : memref<640x128xf32, #tpu.memory_space<vmem>> -> memref<128x128xf32, #tpu.memory_space<vmem>>
    %dma_wait3A_192 = arith.constant 0 : i32
    %dma_wait3A_193 = tpu.memref_slice %arg4[%add3A_128, %dma_wait3A_192] : memref<20480x128xf32, #tpu.memory_space<hbm>> -> memref<128x128xf32, #tpu.memory_space<hbm>>
    %dma_wait3A_194 = arith.constant 0 : i32
    %dma_wait3A_195 = tpu.memref_slice %arg4[%add3A_128, %dma_wait3A_194] : memref<20480x128xf32, #tpu.memory_space<hbm>> -> memref<128x128xf32, #tpu.memory_space<hbm>>
    %dma_wait3A_196 = arith.constant 384 : i32
    %dma_wait3A_197 = arith.constant 0 : i32
    %dma_wait3A_198 = tpu.memref_slice %arg6[%dma_wait3A_196, %dma_wait3A_197] : memref<640x128xf32, #tpu.memory_space<vmem>> -> memref<128x128xf32, #tpu.memory_space<vmem>>
    tpu.wait_dma2 semaphore(%arg9 : memref<!tpu.dma_semaphore, #tpu.memory_space<semaphore_mem>>) src(%dma_wait3A_198 : memref<128x128xf32, #tpu.memory_space<vmem>>) dst(%dma_wait3A_195 : memref<128x128xf32, #tpu.memory_space<hbm>>)
    %dma_wait3A_199 = arith.constant 512 : i32
    %dma_wait3A_200 = arith.constant 0 : i32
    %dma_wait3A_201 = tpu.memref_slice %arg6[%dma_wait3A_199, %dma_wait3A_200] : memref<640x128xf32, #tpu.memory_space<vmem>> -> memref<128x128xf32, #tpu.memory_space<vmem>>
    %dma_wait3A_202 = arith.constant 0 : i32
    %dma_wait3A_203 = tpu.memref_slice %arg4[%add3A_148, %dma_wait3A_202] : memref<20480x128xf32, #tpu.memory_space<hbm>> -> memref<128x128xf32, #tpu.memory_space<hbm>>
    %dma_wait3A_204 = arith.constant 0 : i32
    %dma_wait3A_205 = tpu.memref_slice %arg4[%add3A_148, %dma_wait3A_204] : memref<20480x128xf32, #tpu.memory_space<hbm>> -> memref<128x128xf32, #tpu.memory_space<hbm>>
    %dma_wait3A_206 = arith.constant 512 : i32
    %dma_wait3A_207 = arith.constant 0 : i32
    %dma_wait3A_208 = tpu.memref_slice %arg6[%dma_wait3A_206, %dma_wait3A_207] : memref<640x128xf32, #tpu.memory_space<vmem>> -> memref<128x128xf32, #tpu.memory_space<vmem>>
    tpu.wait_dma2 semaphore(%arg9 : memref<!tpu.dma_semaphore, #tpu.memory_space<semaphore_mem>>) src(%dma_wait3A_208 : memref<128x128xf32, #tpu.memory_space<vmem>>) dst(%dma_wait3A_205 : memref<128x128xf32, #tpu.memory_space<hbm>>)
    return
  }
}

</mosaic_0001>

<sc_bundles>
// kernel: kernel.3.cloned.1.call-start
scs
__scs_entry_jumppad:
0x0: {  	(pc) =	sbr.rel $0x88, $3  }
0x1: {  	(tag) =	ssettag $0x0;
	lr =	simm.s32 $0x1  }
0x2: {  	[smem:$0x3F9F] =	sst lr;
	_ =	strace $0xD0000000  }
0x3: {  	_ = 	snop  }
0x4: {  	_ = 	snop  }
0x5: {  	_ = 	snop  }
0x6: {  	_ = 	snop  }
0x7: {  	_ = 	snop  }
__scs_overlays_trampoline_lowered:
0x8: {  	[smem:$0x3FAE] =	sst s0  }
0x9: {  	[smem:$0x3FAF] =	sst s1  }
0xa: {  	[smem:$0x3FB0] =	sst s2  }
0xb: {  	[smem:$0x3FB1] =	sst s3  }
0xc: {  	[smem:$0x3FB2] =	sst s4  }
0xd: {  	[smem:$0x3FB3] =	sst s5  }
0xe: {  	[smem:$0x3FB4] =	sst s6  }
0xf: {  	[smem:$0x3FB5] =	sst s7  }
0x10: {  	[smem:$0x3FB6] =	sst s8  }
0x11: {  	[smem:$0x3FB7] =	sst s9;
	s0 =	simm.s32 @!p0 $0x0  }
0x12: {  	s1 =	sld [smem:$0x3F9D];
	s0 =	simm.s32 @p0 $0x1  }
0x13: {  	[smem:$0x3FB8] =	sst s0;
	s0 =	simm.s32 @!p1 $0x0  }
0x14: {  	s2 =	sld [smem:$0x3F9C];
	s0 =	simm.s32 @p1 $0x1  }
0x15: {  	[smem:$0x3FB9] =	sst s0;
	s0 =	simm.s32 @!p2 $0x0  }
0x16: {  	s3 =	sld [smem:$0x3FDB];
	s0 =	simm.s32 @p2 $0x1  }
0x17: {  	s4 =	simm.s32 $0x1BF5;
	[smem:$0x3FBB] =	sst s0  }
0x18: {  	s0 =	sld [smem:$0x3F9E];
	_ =	swait.ge [sflag:s4], $0x0  }
0x19: {  	s7 =	sld [smem:$0x3F9F]  }
0x1a: {  	s8 =	sadd.s32 $0xFFFFE003, lr  }
0x1b: {  	s9 =	sadd.s32 $0xFFFFFEF7, lr;
	s5 =	simm.s32 $0xFFFFFFFF;
	p2 =	slt.u32 s8, $0xFFFFF086  }
0x1c: {  	p1 =	slt.u32 s9, $0xF7A;
	s5 =	simm.s32 @!p2 $0x0  }
0x1d: {  	s5 =	simm.s32 @p1 $0x1;
	p0 =	seq.s32 s7, s2  }
0x1e: {  	s7 =	smul.u32 @!p0 $0xF7A, s2;
	p2 =	seq.s32 @!p0 s5, $0x0  }
0x1f: {  	s9 =	smul.u32 $0xF7A, s1;
	s8 =	simm.s32 @!p0 $0x1BF5;
	p2 =	por !p2, p0  }
0x20: {  	[sflag:s8] =	ssyncset.s32 @!p0 $0xFFFFF086;
	s6 =	sadd.s32 @!p0 s3, s7;
	s7 =	simm.s32 @!p0 $0x108  }
0x21: {  	s3 =	sadd.s32 s3, s9;
	s6 =	sadd.s32 @!p0 $0x88, s6;
	s7 =	simm.s32 @p2 $0x1082  }
0x22: {  	[simem:s7], [sflag:s8] =	dma.local @!p0 [hbm:s6], $0xF7A  }
0x23: {  	s9 =	sor.u32 $0xD0000000, s2;
	s6 =	simm.s32 $0x108;
	_ =	swait.ge @!p0 [sflag:s8], $0x0  }
0x24: {  	s3 =	sadd.s32 $0x88, s3;
	s6 =	simm.s32 @!p1 $0x1082;
	[sflag:s4] =	ssyncset.s32 $0xFFFFF086  }
0x25: {  	[simem:s6], [sflag:s4] =	dma.local [hbm:s3], $0xF7A  }
0x26: {  	[smem:$0x3F9F] =	sst s1;
	(tag) =	ssettag s2;
	_ =	strace s9  }
0x27: {  	s1 =	sld [smem:$0x3FAF]  }
0x28: {  	s2 =	sld [smem:$0x3FB0]  }
0x29: {  	s4 =	sld [smem:$0x3FB2]  }
0x2a: {  	p0 =	seq.s32 s5, $0x0;
	s5 =	sld [smem:$0x3FB3]  }
0x2b: {  	s6 =	sld [smem:$0x3FB4]  }
0x2c: {  	s7 =	sld [smem:$0x3FB5]  }
0x2d: {  	s3 =	simm.s32 $0x108;
	s8 =	sld [smem:$0x3FB6]  }
0x2e: {  	s3 =	simm.s32 @!p0 $0x1082;
	s9 =	sld [smem:$0x3FB7]  }
0x2f: {  	lr =	sadd.s32 s0, s3;
	s0 =	sld [smem:$0x3FAE]  }
0x30: {  	s3 =	sld [smem:$0x3FB1]  }
0x31: {  	[smem:$0x3FBA] =	sst s10  }
0x32: {  	s10 =	sld [smem:$0x3FB8];
	_ =	sdelay $0x3  }
0x33: {  	p0 =	seq.s32 s10, $0x1;
	s10 =	sld [smem:$0x3FBA];
	_ =	sdelay $0x3  }
0x34: {  	[smem:$0x3FBA] =	sst s10  }
0x35: {  	s10 =	sld [smem:$0x3FB9];
	_ =	sdelay $0x3  }
0x36: {  	p1 =	seq.s32 s10, $0x1;
	s10 =	sld [smem:$0x3FBA];
	_ =	sdelay $0x3  }
0x37: {  	[smem:$0x3FBA] =	sst s10  }
0x38: {  	s10 =	sld [smem:$0x3FBB]  }
0x39: {  	_ = 	snop;
	(pc) =	sbr.ind lr, $3  }
0x3a: {  	_ = 	snop  }
0x3b: {  	_ = 	snop  }
0x3c: {  	p2 =	seq.s32 s10, $0x1;
	s10 =	sld [smem:$0x3FBA]  }
0x3d: {  	_ =	shalt  }
0x3e: {  	_ =	shalt  }
0x3f: {  	_ =	shalt  }
0x40: {  	_ =	shalt  }
0x41: {  	_ =	shalt  }
0x42: {  	_ =	shalt  }
0x43: {  	_ =	shalt  }
0x44: {  	_ =	shalt  }
0x45: {  	_ =	shalt  }
0x46: {  	_ =	shalt  }
0x47: {  	_ =	shalt  }
0x48: {  	_ =	shalt  }
0x49: {  	_ =	shalt  }
0x4a: {  	_ =	shalt  }
0x4b: {  	_ =	shalt  }
0x4c: {  	_ =	shalt  }
0x4d: {  	_ =	shalt  }
0x4e: {  	_ =	shalt  }
0x4f: {  	_ =	shalt  }
0x50: {  	_ =	shalt  }
0x51: {  	_ =	shalt  }
0x52: {  	_ =	shalt  }
0x53: {  	_ =	shalt  }
0x54: {  	_ =	shalt  }
0x55: {  	_ =	shalt  }
0x56: {  	_ =	shalt  }
0x57: {  	_ =	shalt  }
0x58: {  	_ =	shalt  }
0x59: {  	_ =	shalt  }
0x5a: {  	_ =	shalt  }
0x5b: {  	_ =	shalt  }
0x5c: {  	_ =	shalt  }
0x5d: {  	_ =	shalt  }
0x5e: {  	_ =	shalt  }
0x5f: {  	_ =	shalt  }
0x60: {  	_ =	shalt  }
0x61: {  	_ =	shalt  }
0x62: {  	_ =	shalt  }
0x63: {  	_ =	shalt  }
0x64: {  	_ =	shalt  }
0x65: {  	_ =	shalt  }
0x66: {  	_ =	shalt  }
0x67: {  	_ =	shalt  }
0x68: {  	_ =	shalt  }
0x69: {  	_ =	shalt  }
0x6a: {  	_ =	shalt  }
0x6b: {  	_ =	shalt  }
0x6c: {  	_ =	shalt  }
0x6d: {  	_ =	shalt  }
0x6e: {  	_ =	shalt  }
0x6f: {  	_ =	shalt  }
0x70: {  	_ =	shalt  }
0x71: {  	_ =	shalt  }
0x72: {  	_ =	shalt  }
0x73: {  	_ =	shalt  }
0x74: {  	_ =	shalt  }
0x75: {  	_ =	shalt  }
0x76: {  	_ =	shalt  }
0x77: {  	_ =	shalt  }
0x78: {  	_ =	shalt  }
0x79: {  	_ =	shalt  }
0x7a: {  	_ =	shalt  }
0x7b: {  	_ =	shalt  }
0x7c: {  	_ =	shalt  }
0x7d: {  	_ =	shalt  }
0x7e: {  	_ =	shalt  }
0x7f: {  	_ =	shalt  }
0x80: {  	_ =	shalt  }
0x81: {  	_ =	shalt  }
0x82: {  	_ =	shalt  }
0x83: {  	_ =	shalt  }
0x84: {  	_ =	shalt  }
0x85: {  	_ =	shalt  }
0x86: {  	_ =	shalt  }
0x87: {  	_ =	shalt  }
.Lfunc_end0:
.L_simem_size_0:
called_computation_lowered:
.L_overlay_start_0:
0x88: {  	s2 =	sld [smem:$0x3FD9]  }
0x89: {  	s3 =	sld [smem:$0x3FFE];
	_ =	sdelay $0x1  }
0x8a: {  	s1 =	srdreg.scid  }
0x8b: {  	s0 =	sand.u32 $0x1, s1  }
0x8c: {  	s17 =	sshll.u32 s0, $0xA;
	s2 =	sadd.s32 s3, s2  }
0x8d: {  	s2 =	sadd.s32 s2, s17  }
0x8e: {  	[smem:$0x3FC6] =	sst s2  }
0x8f: {  	_ = 	snop  }
0x90: {  	s2 =	sld [smem:$0x3FC8]  }
0x91: {  	s18 =	sld [smem:$0x3FD0];
	(tm) =	ssettm $0x1  }
0x92: {  	s4 =	sld [smem:$0x3FFB];
	_ =	sdelay $0x3  }
0x93: {  	_ =	strace s4  }
0x94: {  	s4 =	sld [smem:$0x3FFC];
	_ =	sdelay $0x3  }
0x95: {  	_ =	strace s4  }
0x96: {  	s4 =	sld [smem:$0x3FFD];
	_ =	sdelay $0x3  }
0x97: {  	_ =	strace s4  }
0x98: {  	_ =	strace $0x8FFFFFFF  }
0x99: {  	s19 =	sld [smem:$0x3FDB];
	_ =	sdelay $0x1  }
0x9a: {  	s5 =	simm.s32 $_scs_section_size  }
0x9b: {  	s6 =	simm.s32 $_size__tile_overlayer_lowered;
	s7 =	simm.s32 $_tile_overlayer_lowered  }
0x9c: {  	s22 =	simm.s32 $0x1BFF;
	s21 =	sshll.u32 s7, $0x1;
	s4 =	sadd.s32 s5, s19  }
0x9d: {  	s8 =	simm.s32 $0x0;
	s20 =	sshll.u32 s6, $0x1;
	s6 =	sadd.s32 s21, s4  }
0x9e: {  	[timem:s8], [sflag:s22] =	dma.local [hbm:s6], s20  }
0x9f: {  	_ =	swait.ge [sflag:s22], s20  }
0xa0: {  	s5 =	ssub.s32 $0x0, s20;
	[sflag:s22] =	ssyncset.done $0x0  }
0xa1: {  	[sflag:s22] =	ssyncadd.s32 s5;
	_ =	sdelay $0x1  }
0xa2: {  	s23 =	simm.s32 $0x1B8B  }
0xa3: {  	_ =	swait.ge [sflag:s23], $0x1  }
0xa4: {  	[sflag:s23] =	ssyncset.done $0x0  }
0xa5: {  	s25 =	simm.s32 $0x1B8E;
	s24 =	sld [smem:$0x3FFE];
	[sflag:s23] =	ssyncadd.s32 $0xFFFFFFFF  }
0xa6: {  	s26 =	simm.s32 $execute0_lowered;
	[smem:$0x3FD2] =	sst s25  }
0xa7: {  	s6 =	sshll.u32 s26, $0x1;
	_ =	strace $0x80000046;
	[dreg:$0x1] =	wrdreg $0xFFFFFFFF  }
0xa8: {  	s28 =	simm.s32 $_size_execute0_lowered;
	s4 =	sadd.s32 s4, s6;
	[dreg:$0x0] =	wrdreg $0x0  }
0xa9: {  	s6 =	sshll.u32 s28, $0x1;
	[dreg:$0x2] =	wrdreg s4  }
0xaa: {  	[dreg:$0x3] =	wrdreg s6  }
0xab: {  	[dreg:$0x4] =	wrdreg $0xC0  }
0xac: {  	_ =	task [dreg:s8], $0x5FFFF  }
0xad: {  	[dreg:$0x1] =	wrdreg $0xFFFFFFFF  }
0xae: {  	[dreg:$0x0] =	wrdreg $0x60  }
0xaf: {  	[dreg:$0x2] =	wrdreg s24  }
0xb0: {  	[dreg:$0x3] =	wrdreg s2  }
0xb1: {  	[dreg:$0x4] =	wrdreg s18  }
0xb2: {  	[dreg:$0x5] =	wrdreg $0x142800  }
0xb3: {  	[dreg:$0x6] =	wrdreg $0x9  }
0xb4: {  	_ =	task.clear_ibuf [dreg:s8], $0x7FFFF;
	_ =	strace $0x90000046  }
0xb5: {  	s29 =	simm.s32 $0x9;
	_ =	strace $0x80000048  }
0xb6: {  	_ =	swait.ge [sflag:s29], $0x1  }
0xb7: {  	[sflag:s29] =	ssyncadd.s32 $0xFFFFFFFF  }
0xb8: {  	_ =	strace $0x90000048  }
0xb9: {  	_ =	sfence  }
0xba: {  	s30 =	sld [smem:$0x0];
	_ =	sdelay $0x2  }
0xbb: {  	s31 =	sshll.u32 s1, $0xD;
	s1 =	sshrl.u32 s1, $0x2  }
0xbc: {  	s3 =	sand.u32 $0x4000, s31;
	s1 =	sadd.s32 s1, s30  }
0xbd: {  	s0 =	sor.u32 s3, s0;
	s1 =	sshll.u32 s1, $0x11  }
0xbe: {  	s0 =	sor.u32 s1, s0  }
0xbf: {  	s0 =	sadd.s32 $0x8F2B, s0  }
0xc0: {  	[sflag:s0] =	ssyncadd.remote.s32 $0x1  }
0xc1: {  	_ =	sfence.sel $0xFFFF  }
0xc2: {  	[dreg:$0x0] =	wrdreg $0xFFFFFFFF;
	(pc) =	sbr.abs _section_cstart, $3  }
0xc3: {  	[dreg:$0x1] =	wrdreg $0xFFFFFFFF  }
0xc4: {  	_ =	task.clear_ibuf [dreg:s8], $0x2FFFF;
	_ =	strace $0x9FFFFFFF  }
0xc5: {  	(tm) =	ssettm $0x7FFFFFFF  }
tec
execute0_lowered:
.L_overlay_start_1:
0x0: {  	(tag) =	ssettag $0x1  }
0x1: {  	s5 =	rddreg [dreg:$0x0]  }
0x2: {  	s4 =	rddreg [dreg:$0x1]  }
0x3: {  	s6 =	rddreg [dreg:$0x2]  }
0x4: {  	s1 =	srdreg.scid;
	s3 =	rddreg [dreg:$0x3]  }
0x5: {  	s0 =	stileid.u32;
	s28 =	rddreg [dreg:$0x4]  }
0x6: {  	s2 =	simm.s32 $0x0;
	s23 =	simm.s32 $0x4;
	s17 =	simm.s32 $0x80  }
0x7: {  	s16 =	simm.s32 $0x280;
	s15 =	simm.s32 $0x4280;
	s20 =	simm.s32 $0x100  }
0x8: {  	s21 =	simm.s32 $0x180;
	s22 =	simm.s32 $0x200;
	p1 =	por $0x0, $0x0  }
0x9: {  	s14 =	simm.s32 $0x1;
	s7 =	sand.u32 $0x1, s1;
	s10 =	smul.u32 $0x1F000, s0  }
0xa: {  	s8 =	sshll.u32 s0, $0x1;
	[smem:$0x7FF] =	sst s2;
	s24 =	smul.u32 $0xF80, s0  }
0xb: {  	s19 =	sadd.s32 $0xE880, s4;
	p0 =	seq.s32 s0, $0xF;
	s8 =	sor.u32 s7, s8  }
0xc: {  	_ =	strace $0x80000047;
	s7 =	ssub.s32 $0x2, s7;
	s9 =	smul.u32 $0x50, s8  }
0xd: {  	s11 =	sshrl.u32 s7, $0x1;
	s10 =	sshrl.u32 s10, $0x2;
	s12 =	smul.u32 $0x14000, s8  }
0xe: {  	s25 =	sadd.s32 s4, s24;
	s26 =	smul.u32 $0x2800, s8;
	s11 =	ssub.s32 s7, s11  }
0xf: {  	s13 =	sadd.s32 s10, s3;
	[dreg:$0x5] =	wrdreg s25;
	s30 =	smax.u32 s11, $0x1  }
0x10: {  	s5 =	sadd.s32 s9, s5;
	s29 =	sshrl.u32 s12, $0x3;
	s31 =	sadd.s32 $0xFFFFFFFF, s30  }
0x11: {  	s12 =	sadd.s32 $0x74400, s3;
	s10 =	sadd.s32 s6, s26;
	p2 =	sne.s32 s31, $0x0  }
.Ltmp0:
0x12: {  	s11 =	sshll.u32 @!p0 s0, $0x6;
	s25 =	sshrl.u32 @!p0 s13, $0x3;
	(pc) =	sbr.rel @!p2 .LBB2_5-.Ltmp0, $4  }
0x13: {  	s13 =	simm.s32 $0x8280;
	s8 =	sadd.s32 s6, s29;
	s18 =	sadd.s32 $0x400, s5  }
0x14: {  	s26 =	sshrl.u32 @p0 s12, $0x3;
	s24 =	sor.u32 @!p0 $0x1C03, s11;
	s12 =	simm.s32 $0xC280  }
0x15: {  	s11 =	simm.s32 $0x10280;
	s9 =	sadd.s32 $0x800, s8;
	s7 =	sadd.s32 $0x1000, s8  }
0x16: {  	s6 =	sadd.s32 $0x1800, s8;
	s5 =	sadd.s32 $0x2000, s8;
	s8 =	simm.s32 $0x2  }
0x17: {  	s28 =	simm.s32 @p0 $0x1FC3  }
0x18: {  	[spmem:s26], [sflag:s28] =	dma.local @p0 [hbm:s19], $0xA20  }
0x19: {  	s29 =	rddreg [dreg:$0x5]  }
0x1a: {  	[spmem:s25], [sflag:s24] =	dma.local @!p0 [hbm:s29], $0xF80  }
0x1b: {  	[tilespmem:s2], [sflag:$0x4] =	stream.linear.gather [hbm4b:s18+s2], $0x280, $0x38;
	[tilespmem:$0x1BBD0] =	vst v63  }
0x1c: {  	_ =	swait.ge [sflag:s23], $0x280  }
0x1d: {  	[sflag:s23] =	ssyncset.done $0x0  }
0x1e: {  	[sflag:s23] =	ssyncadd.s32 $0xFFFFFD80  }
0x1f: {  	[tilespmem:s16], [sflag:$0x1] =	stream.indirect.gather [hbm4b:s4+s17], $0x80, s2, s17, $0xb8;
	[tilespmem:$0x1BBD0] =	vst v63  }
0x20: {  	s29 =	simm.s32 @p0 $0x3  }
0x21: {  	[tilespmem:s15], [sflag:$0x1] =	stream.indirect.gather [hbm4b:s4+s17], $0x80, s17, s17, $0xb8;
	[tilespmem:$0x1BBD0] =	vst v63  }
0x22: {  	_ =	swait.ge @p0 [sflag:s29], $0xA20  }
0x23: {  	[sflag:s29] =	ssyncset.done @p0 $0x0  }
0x24: {  	s30 =	simm.s32 @!p0 $0x3;
	[sflag:s29] =	ssyncadd.s32 @p0 $0xFFFFF5E0  }
0x25: {  	_ =	swait.ge @!p0 [sflag:s30], $0xF80  }
0x26: {  	[sflag:s30] =	ssyncset.done @!p0 $0x0  }
0x27: {  	[sflag:s30] =	ssyncadd.s32 @!p0 $0xFFFFF080  }
0x28: {  	[bflag:$0x0] =	sbarrier.arrive $0xFFFF  }
0x29: {  	[tilespmem:s13], [sflag:$0x1] =	stream.indirect.gather [spmem:s3], $0x80, s20, s17, $0xb8;
	[tilespmem:$0x1BBD0] =	vst v63  }
0x2a: {  	_ = 	snop  }
0x2b: {  	[tilespmem:s12], [sflag:$0x1] =	stream.indirect.gather [spmem:s3], $0x80, s21, s17, $0xb8;
	[tilespmem:$0x1BBD0] =	vst v63  }
0x2c: {  	_ = 	snop  }
0x2d: {  	[tilespmem:s11], [sflag:$0x1] =	stream.indirect.gather [spmem:s3], $0x80, s22, s17, $0xb8;
	[tilespmem:$0x1BBD0] =	vst v63  }
0x2e: {  	_ =	swait.ge [sflag:s14], $0x4000  }
0x2f: {  	[sflag:s14] =	ssyncset.done $0x0  }
0x30: {  	[sflag:s14] =	ssyncadd.s32 $0xFFFFC000  }
0x31: {  	[hbm4b:s10+s2] =	stream.linear.scatter [tilespmem:s16], [sflag:$0x2], $0x4000, $0x38;
	[tilespmem:$0x1BBD0] =	vst v63  }
0x32: {  	_ =	swait.ge [sflag:s14], $0x4000  }
0x33: {  	[sflag:s14] =	ssyncset.done $0x0  }
0x34: {  	[sflag:s14] =	ssyncadd.s32 $0xFFFFC000  }
0x35: {  	[hbm4b:s9+s2] =	stream.linear.scatter [tilespmem:s15], [sflag:$0x2], $0x4000, $0x38;
	[tilespmem:$0x1BBD0] =	vst v63  }
0x36: {  	_ =	swait.ge [sflag:s14], $0x4000  }
0x37: {  	[sflag:s14] =	ssyncset.done $0x0  }
0x38: {  	[sflag:s14] =	ssyncadd.s32 $0xFFFFC000  }
0x39: {  	[hbm4b:s7+s2] =	stream.linear.scatter [tilespmem:s13], [sflag:$0x2], $0x4000, $0x38;
	[tilespmem:$0x1BBD0] =	vst v63  }
0x3a: {  	_ =	swait.ge [sflag:s14], $0x4000  }
0x3b: {  	[sflag:s14] =	ssyncset.done $0x0  }
0x3c: {  	[sflag:s14] =	ssyncadd.s32 $0xFFFFC000  }
0x3d: {  	[hbm4b:s6+s2] =	stream.linear.scatter [tilespmem:s12], [sflag:$0x2], $0x4000, $0x38;
	[tilespmem:$0x1BBD0] =	vst v63  }
0x3e: {  	_ =	swait.ge [sflag:s14], $0x4000  }
0x3f: {  	[sflag:s14] =	ssyncset.done $0x0  }
0x40: {  	[sflag:s14] =	ssyncadd.s32 $0xFFFFC000  }
0x41: {  	[hbm4b:s5+s2] =	stream.linear.scatter [tilespmem:s11], [sflag:$0x2], $0x4000, $0x38;
	[tilespmem:$0x1BBD0] =	vst v63  }
0x42: {  	_ =	swait.ge [sflag:s8], $0x4000  }
0x43: {  	[sflag:s8] =	ssyncset.done $0x0  }
0x44: {  	[sflag:s8] =	ssyncadd.s32 $0xFFFFC000  }
0x45: {  	_ =	swait.ge [sflag:s8], $0x4000  }
0x46: {  	[sflag:s8] =	ssyncset.done $0x0  }
0x47: {  	[sflag:s8] =	ssyncadd.s32 $0xFFFFC000  }
0x48: {  	_ =	swait.ge [sflag:s8], $0x4000  }
0x49: {  	s31 =	sadd.s32 $0xFFFFFFFF, s31;
	[sflag:s8] =	ssyncset.done $0x0  }
0x4a: {  	p2 =	sne.s32 s31, $0x0;
	[sflag:s8] =	ssyncadd.s32 $0xFFFFC000  }
.Ltmp1:
0x4b: {  	_ =	swait.ge [sflag:s8], $0x4000;
	(pc) =	sbr.rel @!p2 .LBB2_2-.Ltmp1, $4  }
0x4c: {  	[sflag:s8] =	ssyncset.done $0x0  }
0x4d: {  	[sflag:s8] =	ssyncadd.s32 $0xFFFFC000  }
0x4e: {  	_ =	swait.ge [sflag:s8], $0x4000  }
0x4f: {  	p1 =	por $0x1, $0x1;
	[sflag:s8] =	ssyncset.done $0x0  }
.LBB2_3:
0x50: {  	[sflag:s8] =	ssyncadd.s32 $0xFFFFC000  }
0x51: {  	[spmem:s26], [sflag:s28] =	dma.local @p0 [hbm:s19], $0xA20  }
0x52: {  	s1 =	rddreg [dreg:$0x5]  }
0x53: {  	[spmem:s25], [sflag:s24] =	dma.local @!p0 [hbm:s1], $0xF80  }
0x54: {  	[tilespmem:s2], [sflag:$0x4] =	stream.linear.gather [hbm4b:s18+s2], $0x280, $0x38;
	[tilespmem:$0x1BBD0] =	vst v63  }
0x55: {  	_ =	swait.ge [sflag:s23], $0x280  }
0x56: {  	[sflag:s23] =	ssyncset.done $0x0  }
0x57: {  	[sflag:s23] =	ssyncadd.s32 $0xFFFFFD80  }
0x58: {  	[tilespmem:s16], [sflag:$0x1] =	stream.indirect.gather [hbm4b:s4+s17], $0x80, s2, s17, $0xb8;
	[tilespmem:$0x1BBD0] =	vst v63  }
0x59: {  	_ = 	snop  }
0x5a: {  	[tilespmem:s15], [sflag:$0x1] =	stream.indirect.gather [hbm4b:s4+s17], $0x80, s17, s17, $0xb8;
	[tilespmem:$0x1BBD0] =	vst v63  }
0x5b: {  	_ =	swait.ge @p0 [sflag:s29], $0xA20  }
0x5c: {  	[sflag:s29] =	ssyncset.done @p0 $0x0  }
0x5d: {  	[sflag:s29] =	ssyncadd.s32 @p0 $0xFFFFF5E0  }
0x5e: {  	_ =	swait.ge @!p0 [sflag:s30], $0xF80  }
0x5f: {  	[sflag:s30] =	ssyncset.done @!p0 $0x0  }
0x60: {  	[sflag:s30] =	ssyncadd.s32 @!p0 $0xFFFFF080  }
0x61: {  	[bflag:$0x0] =	sbarrier.arrive $0xFFFF  }
0x62: {  	[tilespmem:s13], [sflag:$0x1] =	stream.indirect.gather [spmem:s3], $0x80, s20, s17, $0xb8;
	[tilespmem:$0x1BBD0] =	vst v63  }
0x63: {  	_ = 	snop  }
0x64: {  	[tilespmem:s12], [sflag:$0x1] =	stream.indirect.gather [spmem:s3], $0x80, s21, s17, $0xb8;
	[tilespmem:$0x1BBD0] =	vst v63  }
0x65: {  	_ = 	snop  }
0x66: {  	[tilespmem:s11], [sflag:$0x1] =	stream.indirect.gather [spmem:s3], $0x80, s22, s17, $0xb8;
	[tilespmem:$0x1BBD0] =	vst v63  }
0x67: {  	_ =	swait.ge [sflag:s14], $0x4000  }
0x68: {  	[sflag:s14] =	ssyncset.done $0x0  }
0x69: {  	[sflag:s14] =	ssyncadd.s32 $0xFFFFC000  }
0x6a: {  	[hbm4b:s10+s2] =	stream.linear.scatter [tilespmem:s16], [sflag:$0x2], $0x4000, $0x38;
	[tilespmem:$0x1BBD0] =	vst v63  }
0x6b: {  	_ =	swait.ge [sflag:s14], $0x4000  }
0x6c: {  	[sflag:s14] =	ssyncset.done $0x0  }
0x6d: {  	[sflag:s14] =	ssyncadd.s32 $0xFFFFC000  }
0x6e: {  	[hbm4b:s9+s2] =	stream.linear.scatter [tilespmem:s15], [sflag:$0x2], $0x4000, $0x38;
	[tilespmem:$0x1BBD0] =	vst v63  }
0x6f: {  	_ =	swait.ge [sflag:s14], $0x4000  }
0x70: {  	[sflag:s14] =	ssyncset.done $0x0  }
0x71: {  	[sflag:s14] =	ssyncadd.s32 $0xFFFFC000  }
0x72: {  	[hbm4b:s7+s2] =	stream.linear.scatter [tilespmem:s13], [sflag:$0x2], $0x4000, $0x38;
	[tilespmem:$0x1BBD0] =	vst v63  }
0x73: {  	_ =	swait.ge [sflag:s14], $0x4000  }
0x74: {  	[sflag:s14] =	ssyncset.done $0x0  }
0x75: {  	[sflag:s14] =	ssyncadd.s32 $0xFFFFC000  }
0x76: {  	[hbm4b:s6+s2] =	stream.linear.scatter [tilespmem:s12], [sflag:$0x2], $0x4000, $0x38;
	[tilespmem:$0x1BBD0] =	vst v63  }
0x77: {  	_ =	swait.ge [sflag:s14], $0x4000  }
0x78: {  	[sflag:s14] =	ssyncset.done $0x0  }
0x79: {  	[sflag:s14] =	ssyncadd.s32 $0xFFFFC000  }
0x7a: {  	[hbm4b:s5+s2] =	stream.linear.scatter [tilespmem:s11], [sflag:$0x2], $0x4000, $0x38;
	[tilespmem:$0x1BBD0] =	vst v63  }
0x7b: {  	_ =	swait.ge [sflag:s8], $0x4000  }
0x7c: {  	[sflag:s8] =	ssyncset.done $0x0  }
0x7d: {  	[sflag:s8] =	ssyncadd.s32 $0xFFFFC000  }
0x7e: {  	_ =	swait.ge [sflag:s8], $0x4000  }
0x7f: {  	[sflag:s8] =	ssyncset.done $0x0  }
0x80: {  	[sflag:s8] =	ssyncadd.s32 $0xFFFFC000  }
0x81: {  	_ =	swait.ge [sflag:s8], $0x4000  }
0x82: {  	s31 =	sadd.s32 $0xFFFFFFFF, s31;
	[sflag:s8] =	ssyncset.done $0x0  }
0x83: {  	p2 =	sne.s32 s31, $0x0;
	[sflag:s8] =	ssyncadd.s32 $0xFFFFC000  }
.Ltmp2:
0x84: {  	_ =	swait.ge [sflag:s8], $0x4000;
	(pc) =	sbr.rel @p2 .LBB2_3-.Ltmp2, $4  }
0x85: {  	[sflag:s8] =	ssyncset.done $0x0  }
0x86: {  	[sflag:s8] =	ssyncadd.s32 $0xFFFFC000  }
0x87: {  	_ =	swait.ge [sflag:s8], $0x4000  }
0x88: {  	[sflag:s8] =	ssyncset.done $0x0  }
0x89: {  	s28 =	rddreg [dreg:$0x4]  }
.LBB2_5:
0x8a: {  	[sflag:s8] =	ssyncadd.s32 @p1 $0xFFFFC000;
	s1 =	simm.s32 @p0 $0x1FC3  }
0x8b: {  	[spmem:s26], [sflag:s1] =	dma.local @p0 [hbm:s19], $0xA20  }
0x8c: {  	s1 =	rddreg [dreg:$0x5]  }
0x8d: {  	[spmem:s25], [sflag:s24] =	dma.local @!p0 [hbm:s1], $0xF80  }
0x8e: {  	[tilespmem:s2], [sflag:$0x4] =	stream.linear.gather [hbm4b:s18+s2], $0x280, $0x38;
	[tilespmem:$0x1BBD0] =	vst v63  }
0x8f: {  	_ =	swait.ge [sflag:s23], $0x280  }
0x90: {  	[sflag:s23] =	ssyncset.done $0x0  }
0x91: {  	[sflag:s23] =	ssyncadd.s32 $0xFFFFFD80  }
0x92: {  	[tilespmem:s16], [sflag:$0x1] =	stream.indirect.gather [hbm4b:s4+s17], $0x80, s2, s17, $0xb8;
	[tilespmem:$0x1BBD0] =	vst v63  }
0x93: {  	s1 =	simm.s32 @p0 $0x3  }
0x94: {  	[tilespmem:s15], [sflag:$0x1] =	stream.indirect.gather [hbm4b:s4+s17], $0x80, s17, s17, $0xb8;
	[tilespmem:$0x1BBD0] =	vst v63  }
0x95: {  	_ =	swait.ge @p0 [sflag:s1], $0xA20  }
0x96: {  	[sflag:s1] =	ssyncset.done @p0 $0x0  }
0x97: {  	[sflag:s1] =	ssyncadd.s32 @p0 $0xFFFFF5E0;
	s1 =	simm.s32 @!p0 $0x3  }
0x98: {  	_ =	swait.ge @!p0 [sflag:s1], $0xF80  }
0x99: {  	[sflag:s1] =	ssyncset.done @!p0 $0x0  }
0x9a: {  	[sflag:s1] =	ssyncadd.s32 @!p0 $0xFFFFF080  }
0x9b: {  	[bflag:$0x0] =	sbarrier.arrive $0xFFFF  }
0x9c: {  	[tilespmem:s13], [sflag:$0x1] =	stream.indirect.gather [spmem:s3], $0x80, s20, s17, $0xb8;
	[tilespmem:$0x1BBD0] =	vst v63  }
0x9d: {  	_ = 	snop  }
0x9e: {  	[tilespmem:s12], [sflag:$0x1] =	stream.indirect.gather [spmem:s3], $0x80, s21, s17, $0xb8;
	[tilespmem:$0x1BBD0] =	vst v63  }
0x9f: {  	_ = 	snop  }
0xa0: {  	[tilespmem:s11], [sflag:$0x1] =	stream.indirect.gather [spmem:s3], $0x80, s22, s17, $0xb8;
	[tilespmem:$0x1BBD0] =	vst v63  }
0xa1: {  	_ =	swait.ge [sflag:s14], $0x4000  }
0xa2: {  	[sflag:s14] =	ssyncset.done $0x0  }
0xa3: {  	[sflag:s14] =	ssyncadd.s32 $0xFFFFC000  }
0xa4: {  	[hbm4b:s10+s2] =	stream.linear.scatter [tilespmem:s16], [sflag:$0x2], $0x4000, $0x38;
	[tilespmem:$0x1BBD0] =	vst v63  }
0xa5: {  	_ =	swait.ge [sflag:s14], $0x4000  }
0xa6: {  	[sflag:s14] =	ssyncset.done $0x0  }
0xa7: {  	[sflag:s14] =	ssyncadd.s32 $0xFFFFC000  }
0xa8: {  	[hbm4b:s9+s2] =	stream.linear.scatter [tilespmem:s15], [sflag:$0x2], $0x4000, $0x38;
	[tilespmem:$0x1BBD0] =	vst v63  }
0xa9: {  	_ =	swait.ge [sflag:s14], $0x4000  }
0xaa: {  	[sflag:s14] =	ssyncset.done $0x0  }
0xab: {  	[sflag:s14] =	ssyncadd.s32 $0xFFFFC000  }
0xac: {  	[hbm4b:s7+s2] =	stream.linear.scatter [tilespmem:s13], [sflag:$0x2], $0x4000, $0x38;
	[tilespmem:$0x1BBD0] =	vst v63  }
0xad: {  	_ =	swait.ge [sflag:s14], $0x4000  }
0xae: {  	[sflag:s14] =	ssyncset.done $0x0  }
0xaf: {  	[sflag:s14] =	ssyncadd.s32 $0xFFFFC000  }
0xb0: {  	[hbm4b:s6+s2] =	stream.linear.scatter [tilespmem:s12], [sflag:$0x2], $0x4000, $0x38;
	[tilespmem:$0x1BBD0] =	vst v63  }
0xb1: {  	_ =	swait.ge [sflag:s14], $0x4000  }
0xb2: {  	[sflag:s14] =	ssyncset.done $0x0  }
0xb3: {  	[sflag:s14] =	ssyncadd.s32 $0xFFFFC000  }
0xb4: {  	[hbm4b:s5+s2] =	stream.linear.scatter [tilespmem:s11], [sflag:$0x2], $0x4000, $0x38;
	[tilespmem:$0x1BBD0] =	vst v63  }
0xb5: {  	_ =	swait.ge [sflag:s8], $0x4000  }
0xb6: {  	[sflag:s8] =	ssyncset.done $0x0  }
0xb7: {  	[sflag:s8] =	ssyncadd.s32 $0xFFFFC000  }
0xb8: {  	_ =	swait.ge [sflag:s8], $0x4000  }
0xb9: {  	[sflag:s8] =	ssyncset.done $0x0  }
0xba: {  	[sflag:s8] =	ssyncadd.s32 $0xFFFFC000  }
0xbb: {  	_ =	swait.ge [sflag:s8], $0x4000  }
0xbc: {  	[sflag:s8] =	ssyncset.done $0x0  }
0xbd: {  	[sflag:s8] =	ssyncadd.s32 $0xFFFFC000  }
0xbe: {  	_ =	swait.ge [sflag:s8], $0x4000  }
0xbf: {  	[sflag:s8] =	ssyncset.done $0x0  }
0xc0: {  	[sflag:s8] =	ssyncadd.s32 $0xFFFFC000  }
0xc1: {  	_ =	swait.ge [sflag:s8], $0x4000  }
0xc2: {  	[sflag:s8] =	ssyncset.done $0x0  }
0xc3: {  	[sflag:s8] =	ssyncadd.s32 $0xFFFFC000  }
0xc4: {  	_ =	sfence.sel $0x180000  }
0xc5: {  	[bflag:$0x0] =	sbarrier.arrive $0xFFFF  }
0xc6: {  	p0 =	sne.s32 s0, $0x0;
	_ =	strace $0x90000047  }
0xc7: {  	s0 =	sadd.s32 @!p0 $0x100000, s28;
	[bflag:$0x2] =	sbarrier.arrive $0xFFFF  }
0xc8: {  	[sflag:s0] =	ssyncadd.tile.s32 @!p0 $0x1;
	_ =	shalt  }
.LBB2_2:
.Ltmp3:
0xc9: {  	(pc) =	sbr.rel .LBB2_5-.Ltmp3, $2  }
0xca: {  	_ =	sdelay $0x2  }
0xcb: {  	s28 =	rddreg [dreg:$0x4]  }
.Lfunc_end2:
_tile_overlayer_lowered:
.L_overlay_start_2:
0xcc: {  	(tag) =	ssettag $0x2  }
0xcd: {  	s0 =	rddreg [dreg:$0x0];
	s2 =	stileid.u32  }
0xce: {  	s1 =	rddreg [dreg:$0x1];
	p0 =	sne.s32 s2, $0x0  }
0xcf: {  	s3 =	rddreg [dreg:$0x2];
	[bflag:$0x3] =	sbarrier.arrive $0xFFFF;
	s2 =	simm.s32 @!p0 $0x1C04  }
0xd0: {  	[timem:s3], [sflag:s2] =	dma.local @!p0 [hbm:s0], s1  }
0xd1: {  	s0 =	simm.s32 @!p0 $0x4  }
0xd2: {  	_ =	swait.ge @!p0 [sflag:s0], s1  }
0xd3: {  	s1 =	ssub.s32 @!p0 $0x0, s1;
	[sflag:s0] =	ssyncset.done @!p0 $0x0  }
0xd4: {  	[sflag:s0] =	ssyncadd.s32 @!p0 s1  }
0xd5: {  	[bflag:$0x3] =	sbarrier.arrive $0xFFFF  }
0xd6: {  	_ =	shalt  }

</sc_bundles>
